<compile_context>
chip_gen: v7x
topology: tpu7x:2x2x1
jax: 0.10.2.dev20260603
libtpu: 0.0.44.dev20260713+nightly
codegen_flags: <defaults>
</compile_context>

<pallas_src>
import jax
import jax.numpy as jnp
from jax import lax
from jax.experimental import pallas as pl
from jax.experimental.pallas import tpu as pltpu
from jax.experimental.pallas import tpu_sc as plsc

BATCH = 4096
DENSE_DIM = 256
HIDDEN = 128

NUM_CORES = 2
NUM_SUBCORES = 16
NUM_WORKERS = NUM_CORES * NUM_SUBCORES
B_PER_W = BATCH // NUM_WORKERS


_NCH = 2
_CH = B_PER_W // _NCH


def _sc_body(idx_hbm, table_hbm, proj_hbm, out_hbm, idx_v, acc_v,
             sem_i, sem_p, sem_g, sem_w):
    wid = lax.axis_index("s") * NUM_CORES + lax.axis_index("c")
    base = wid * B_PER_W
    ci = pltpu.async_copy(idx_hbm.at[pl.ds(base, B_PER_W)], idx_v, sem_i)
    cp = [
        pltpu.async_copy(
            proj_hbm.at[pl.ds(base + k * _CH, _CH)],
            acc_v.at[pl.ds(k * _CH, _CH)], sem_p)
        for k in range(_NCH)
    ]
    ci.wait()
    cg = []
    for k in range(_NCH):
        cp[k].wait()
        cg.append(pltpu.async_copy(
            table_hbm.at[idx_v.at[pl.ds(k * _CH, _CH)]],
            acc_v.at[pl.ds(k * _CH, _CH)], sem_g, add=True))
    cw = []
    for k in range(_NCH):
        cg[k].wait()
        cw.append(pltpu.async_copy(
            acc_v.at[pl.ds(k * _CH, _CH)],
            out_hbm.at[pl.ds(base + k * _CH, _CH)], sem_w))
    for k in range(_NCH):
        cw[k].wait()


_sc_gather_add = pl.kernel(
    _sc_body,
    out_type=jax.ShapeDtypeStruct((BATCH, HIDDEN), jnp.float32),
    mesh=plsc.VectorSubcoreMesh(core_axis_name="c", subcore_axis_name="s"),
    scratch_types=[
        pltpu.VMEM((B_PER_W,), jnp.int32),
        pltpu.VMEM((B_PER_W, HIDDEN), jnp.float32),
        pltpu.SemaphoreType.DMA,
        pltpu.SemaphoreType.DMA,
        pltpu.SemaphoreType.DMA,
        pltpu.SemaphoreType.DMA,
    ],
)


def _tc_matmul_body(x_ref, w_ref, b_ref, o_ref):
    proj = lax.dot_general(
        x_ref[...], w_ref[...],
        dimension_numbers=(((1,), (1,)), ((), ())),
        preferred_element_type=jnp.float32,
    )
    o_ref[...] = proj + b_ref[...]


_BB = 2048


def _tc_matmul(feat_dense, W_dense, b2d):
    grid = (BATCH // _BB,)
    return pl.pallas_call(
        _tc_matmul_body,
        grid=grid,
        in_specs=[
            pl.BlockSpec((_BB, DENSE_DIM), lambda i: (i, 0)),
            pl.BlockSpec((HIDDEN, DENSE_DIM), lambda i: (0, 0)),
            pl.BlockSpec((1, HIDDEN), lambda i: (0, 0)),
        ],
        out_specs=pl.BlockSpec((_BB, HIDDEN), lambda i: (i, 0)),
        out_shape=jax.ShapeDtypeStruct((BATCH, HIDDEN), jnp.float32),
    )(feat_dense, W_dense, b2d)


def kernel(feat_dense, feat_cat, W_dense, b_dense, emb_table):
    idx = feat_cat.astype(jnp.int32)
    proj = _tc_matmul(feat_dense, W_dense, b_dense.reshape(1, HIDDEN))
    return _sc_gather_add(idx, emb_table, proj)

# --- scband reference (transcript-rebuilt; emitter-appended) ---
"""Pipeline reference for scband-linear-projector-22162031247526 (READ-ONLY COPY).

The authoritative reference and input builder live on the scoring server;
editing this copy changes nothing except your own understanding.
"""

import jax, jax.numpy as jnp
import numpy as np

BATCH = 4096
DENSE_DIM = 256
VOCAB = 100000
HIDDEN = 128

def setup_inputs(seed: int = 0) -> dict:
    key = jax.random.key(seed)
    k1, k2, k3, k4 = jax.random.split(key, 4)
    feat_dense = jax.random.normal(k1, (BATCH, DENSE_DIM), dtype=jnp.float32)
    feat_cat = jax.random.randint(k2, (BATCH,), 0, VOCAB, dtype=jnp.int64)
    # Linear(DENSE_DIM -> HIDDEN), xavier_uniform weight, zero bias
    limit_w = np.sqrt(6.0 / (DENSE_DIM + HIDDEN))
    W_dense = jax.random.uniform(k3, (HIDDEN, DENSE_DIM), dtype=jnp.float32, minval=-limit_w, maxval=limit_w)
    b_dense = jnp.zeros((HIDDEN,), dtype=jnp.float32)
    # Embedding(VOCAB, HIDDEN), xavier_uniform
    limit_e = np.sqrt(6.0 / (VOCAB + HIDDEN))
    emb_table = jax.random.uniform(k4, (VOCAB, HIDDEN), dtype=jnp.float32, minval=-limit_e, maxval=limit_e)
    return {"feat_dense": feat_dense, "feat_cat": feat_cat, "W_dense": W_dense, "b_dense": b_dense, "emb_table": emb_table}

def reference(feat_dense, feat_cat, W_dense, b_dense, emb_table):
    # LinearProjector.forward: project each feature, stack over feature axis, sum
    proj_dense = feat_dense @ W_dense.T + b_dense          # nn.Linear on float32 feature
    proj_cat = jnp.take(emb_table, feat_cat, axis=0)       # nn.Embedding on int64 feature
    projections = jnp.stack([proj_dense, proj_cat], axis=1)  # (B, 2, HIDDEN)
    return projections.sum(axis=1)                          # (B, HIDDEN)

if __name__ == "__main__":
    import jax
    _d = setup_inputs()
    print(jax.jit(kernel)(*tuple(_d.values())))

</pallas_src>

<mosaic_0001>
#map = affine_map<(d0, d1) -> (0)>
#map1 = affine_map<(d0, d1) -> (0, 0)>
module attributes {stable_mosaic.version = 14 : i64} {
  func.func @_sc_body(%arg0: i32, %arg1: i32, %arg2: memref<4096xi32, #tpu.memory_space<hbm>>, %arg3: memref<100000x128xf32, #tpu.memory_space<hbm>>, %arg4: memref<4096x128xf32, #tpu.memory_space<hbm>>, %arg5: memref<4096x128xf32, #tpu.memory_space<hbm>>, %arg6: memref<128xi32, #tpu.memory_space<vmem>>, %arg7: memref<128x128xf32, #tpu.memory_space<vmem>>, %arg8: memref<!tpu.dma_semaphore, #tpu.memory_space<semaphore_mem>>, %arg9: memref<!tpu.dma_semaphore, #tpu.memory_space<semaphore_mem>>, %arg10: memref<!tpu.dma_semaphore, #tpu.memory_space<semaphore_mem>>, %arg11: memref<!tpu.dma_semaphore, #tpu.memory_space<semaphore_mem>>) attributes {dimension_semantics = [#tpu.dimension_semantics<core_parallel>, #tpu.dimension_semantics<subcore_parallel>], iteration_bounds = array<i64: 2, 16>, scalar_prefetch = 0 : i64, scratch_operands = 6 : i64, tpu.core_type = #tpu.core_type<sc_vector_subcore>, window_params = [{transform_indices = #map}, {transform_indices = #map1}, {transform_indices = #map1}, {transform_indices = #map1}]} {
    %mul3A = arith.constant 2 : i32
    %mul3A_0 = arith.muli %arg1, %mul3A : i32
    %add3A = arith.addi %mul3A_0, %arg0 : i32
    %mul3A_1 = arith.constant 128 : i32
    %mul3A_2 = arith.muli %add3A, %mul3A_1 : i32
    %dma_start3A = tpu.memref_slice %arg2[%mul3A_2] : memref<4096xi32, #tpu.memory_space<hbm>> -> memref<128xi32, #tpu.memory_space<hbm>>
    %dma_start3A_3 = tpu.memref_slice %arg2[%mul3A_2] : memref<4096xi32, #tpu.memory_space<hbm>> -> memref<128xi32, #tpu.memory_space<hbm>>
    tpu.enqueue_dma source(%dma_start3A_3 : memref<128xi32, #tpu.memory_space<hbm>>) target(%arg6 : memref<128xi32, #tpu.memory_space<vmem>>) target_semaphore(%arg8 : memref<!tpu.dma_semaphore, #tpu.memory_space<semaphore_mem>>)
    %add3A_4 = arith.constant 0 : i32
    %add3A_5 = arith.addi %mul3A_2, %add3A_4 : i32
    %dma_start3A_6 = arith.constant 0 : i32
    %dma_start3A_7 = arith.constant 0 : i32
    %dma_start3A_8 = tpu.memref_slice %arg7[%dma_start3A_6, %dma_start3A_7] : memref<128x128xf32, #tpu.memory_space<vmem>> -> memref<64x128xf32, #tpu.memory_space<vmem>>
    %dma_start3A_9 = arith.constant 0 : i32
    %dma_start3A_10 = tpu.memref_slice %arg4[%add3A_5, %dma_start3A_9] : memref<4096x128xf32, #tpu.memory_space<hbm>> -> memref<64x128xf32, #tpu.memory_space<hbm>>
    %dma_start3A_11 = arith.constant 0 : i32
    %dma_start3A_12 = arith.constant 0 : i32
    %dma_start3A_13 = tpu.memref_slice %arg7[%dma_start3A_11, %dma_start3A_12] : memref<128x128xf32, #tpu.memory_space<vmem>> -> memref<64x128xf32, #tpu.memory_space<vmem>>
    %dma_start3A_14 = arith.constant 0 : i32
    %dma_start3A_15 = tpu.memref_slice %arg4[%add3A_5, %dma_start3A_14] : memref<4096x128xf32, #tpu.memory_space<hbm>> -> memref<64x128xf32, #tpu.memory_space<hbm>>
    tpu.enqueue_dma source(%dma_start3A_15 : memref<64x128xf32, #tpu.memory_space<hbm>>) target(%dma_start3A_13 : memref<64x128xf32, #tpu.memory_space<vmem>>) target_semaphore(%arg9 : memref<!tpu.dma_semaphore, #tpu.memory_space<semaphore_mem>>)
    %add3A_16 = arith.constant 64 : i32
    %add3A_17 = arith.addi %mul3A_2, %add3A_16 : i32
    %dma_start3A_18 = arith.constant 64 : i32
    %dma_start3A_19 = arith.constant 0 : i32
    %dma_start3A_20 = tpu.memref_slice %arg7[%dma_start3A_18, %dma_start3A_19] : memref<128x128xf32, #tpu.memory_space<vmem>> -> memref<64x128xf32, #tpu.memory_space<vmem>>
    %dma_start3A_21 = arith.constant 0 : i32
    %dma_start3A_22 = tpu.memref_slice %arg4[%add3A_17, %dma_start3A_21] : memref<4096x128xf32, #tpu.memory_space<hbm>> -> memref<64x128xf32, #tpu.memory_space<hbm>>
    %dma_start3A_23 = arith.constant 64 : i32
    %dma_start3A_24 = arith.constant 0 : i32
    %dma_start3A_25 = tpu.memref_slice %arg7[%dma_start3A_23, %dma_start3A_24] : memref<128x128xf32, #tpu.memory_space<vmem>> -> memref<64x128xf32, #tpu.memory_space<vmem>>
    %dma_start3A_26 = arith.constant 0 : i32
    %dma_start3A_27 = tpu.memref_slice %arg4[%add3A_17, %dma_start3A_26] : memref<4096x128xf32, #tpu.memory_space<hbm>> -> memref<64x128xf32, #tpu.memory_space<hbm>>
    tpu.enqueue_dma source(%dma_start3A_27 : memref<64x128xf32, #tpu.memory_space<hbm>>) target(%dma_start3A_25 : memref<64x128xf32, #tpu.memory_space<vmem>>) target_semaphore(%arg9 : memref<!tpu.dma_semaphore, #tpu.memory_space<semaphore_mem>>)
    %dma_wait3A = tpu.memref_slice %arg2[%mul3A_2] : memref<4096xi32, #tpu.memory_space<hbm>> -> memref<128xi32, #tpu.memory_space<hbm>>
    %dma_wait3A_28 = tpu.memref_slice %arg2[%mul3A_2] : memref<4096xi32, #tpu.memory_space<hbm>> -> memref<128xi32, #tpu.memory_space<hbm>>
    tpu.wait_dma2 semaphore(%arg8 : memref<!tpu.dma_semaphore, #tpu.memory_space<semaphore_mem>>) src(%dma_wait3A_28 : memref<128xi32, #tpu.memory_space<hbm>>) dst(%arg6 : memref<128xi32, #tpu.memory_space<vmem>>)
    %dma_wait3A_29 = arith.constant 0 : i32
    %dma_wait3A_30 = arith.constant 0 : i32
    %dma_wait3A_31 = tpu.memref_slice %arg7[%dma_wait3A_29, %dma_wait3A_30] : memref<128x128xf32, #tpu.memory_space<vmem>> -> memref<64x128xf32, #tpu.memory_space<vmem>>
    %dma_wait3A_32 = arith.constant 0 : i32
    %dma_wait3A_33 = tpu.memref_slice %arg4[%add3A_5, %dma_wait3A_32] : memref<4096x128xf32, #tpu.memory_space<hbm>> -> memref<64x128xf32, #tpu.memory_space<hbm>>
    %dma_wait3A_34 = arith.constant 0 : i32
    %dma_wait3A_35 = arith.constant 0 : i32
    %dma_wait3A_36 = tpu.memref_slice %arg7[%dma_wait3A_34, %dma_wait3A_35] : memref<128x128xf32, #tpu.memory_space<vmem>> -> memref<64x128xf32, #tpu.memory_space<vmem>>
    %dma_wait3A_37 = arith.constant 0 : i32
    %dma_wait3A_38 = tpu.memref_slice %arg4[%add3A_5, %dma_wait3A_37] : memref<4096x128xf32, #tpu.memory_space<hbm>> -> memref<64x128xf32, #tpu.memory_space<hbm>>
    tpu.wait_dma2 semaphore(%arg9 : memref<!tpu.dma_semaphore, #tpu.memory_space<semaphore_mem>>) src(%dma_wait3A_38 : memref<64x128xf32, #tpu.memory_space<hbm>>) dst(%dma_wait3A_36 : memref<64x128xf32, #tpu.memory_space<vmem>>)
    %dma_start3A_39 = arith.constant 0 : i32
    %dma_start3A_40 = arith.constant 0 : i32
    %dma_start3A_41 = tpu.memref_slice %arg7[%dma_start3A_39, %dma_start3A_40] : memref<128x128xf32, #tpu.memory_space<vmem>> -> memref<64x128xf32, #tpu.memory_space<vmem>>
    %dma_start3A_42 = arith.constant 0 : i32
    %dma_start3A_43 = tpu.memref_slice %arg6[%dma_start3A_42] : memref<128xi32, #tpu.memory_space<vmem>> -> memref<64xi32, #tpu.memory_space<vmem>>
    %dma_start3A_44 = arith.constant 0 : i32
    %dma_start3A_45 = arith.constant 0 : i32
    %dma_start3A_46 = tpu.memref_slice %arg3[%dma_start3A_44, %dma_start3A_45] : memref<100000x128xf32, #tpu.memory_space<hbm>> -> memref<100000x128xf32, #tpu.memory_space<hbm>>
    tpu.enqueue_indirect_dma source(%dma_start3A_46 : memref<100000x128xf32, #tpu.memory_space<hbm>>) target(%dma_start3A_41 : memref<64x128xf32, #tpu.memory_space<vmem>>) offsets(%dma_start3A_43 : memref<64xi32, #tpu.memory_space<vmem>>) semaphore(%arg10 : memref<!tpu.dma_semaphore, #tpu.memory_space<semaphore_mem>>) {add = true}
    %dma_wait3A_47 = arith.constant 64 : i32
    %dma_wait3A_48 = arith.constant 0 : i32
    %dma_wait3A_49 = tpu.memref_slice %arg7[%dma_wait3A_47, %dma_wait3A_48] : memref<128x128xf32, #tpu.memory_space<vmem>> -> memref<64x128xf32, #tpu.memory_space<vmem>>
    %dma_wait3A_50 = arith.constant 0 : i32
    %dma_wait3A_51 = tpu.memref_slice %arg4[%add3A_17, %dma_wait3A_50] : memref<4096x128xf32, #tpu.memory_space<hbm>> -> memref<64x128xf32, #tpu.memory_space<hbm>>
    %dma_wait3A_52 = arith.constant 64 : i32
    %dma_wait3A_53 = arith.constant 0 : i32
    %dma_wait3A_54 = tpu.memref_slice %arg7[%dma_wait3A_52, %dma_wait3A_53] : memref<128x128xf32, #tpu.memory_space<vmem>> -> memref<64x128xf32, #tpu.memory_space<vmem>>
    %dma_wait3A_55 = arith.constant 0 : i32
    %dma_wait3A_56 = tpu.memref_slice %arg4[%add3A_17, %dma_wait3A_55] : memref<4096x128xf32, #tpu.memory_space<hbm>> -> memref<64x128xf32, #tpu.memory_space<hbm>>
    tpu.wait_dma2 semaphore(%arg9 : memref<!tpu.dma_semaphore, #tpu.memory_space<semaphore_mem>>) src(%dma_wait3A_56 : memref<64x128xf32, #tpu.memory_space<hbm>>) dst(%dma_wait3A_54 : memref<64x128xf32, #tpu.memory_space<vmem>>)
    %dma_start3A_57 = arith.constant 64 : i32
    %dma_start3A_58 = arith.constant 0 : i32
    %dma_start3A_59 = tpu.memref_slice %arg7[%dma_start3A_57, %dma_start3A_58] : memref<128x128xf32, #tpu.memory_space<vmem>> -> memref<64x128xf32, #tpu.memory_space<vmem>>
    %dma_start3A_60 = arith.constant 64 : i32
    %dma_start3A_61 = tpu.memref_slice %arg6[%dma_start3A_60] : memref<128xi32, #tpu.memory_space<vmem>> -> memref<64xi32, #tpu.memory_space<vmem>>
    %dma_start3A_62 = arith.constant 0 : i32
    %dma_start3A_63 = arith.constant 0 : i32
    %dma_start3A_64 = tpu.memref_slice %arg3[%dma_start3A_62, %dma_start3A_63] : memref<100000x128xf32, #tpu.memory_space<hbm>> -> memref<100000x128xf32, #tpu.memory_space<hbm>>
    tpu.enqueue_indirect_dma source(%dma_start3A_64 : memref<100000x128xf32, #tpu.memory_space<hbm>>) target(%dma_start3A_59 : memref<64x128xf32, #tpu.memory_space<vmem>>) offsets(%dma_start3A_61 : memref<64xi32, #tpu.memory_space<vmem>>) semaphore(%arg10 : memref<!tpu.dma_semaphore, #tpu.memory_space<semaphore_mem>>) {add = true}
    %dma_wait3A_65 = arith.constant 0 : i32
    %dma_wait3A_66 = arith.constant 0 : i32
    %dma_wait3A_67 = tpu.memref_slice %arg7[%dma_wait3A_65, %dma_wait3A_66] : memref<128x128xf32, #tpu.memory_space<vmem>> -> memref<64x128xf32, #tpu.memory_space<vmem>>
    %dma_wait3A_68 = arith.constant 0 : i32
    %dma_wait3A_69 = tpu.memref_slice %arg6[%dma_wait3A_68] : memref<128xi32, #tpu.memory_space<vmem>> -> memref<64xi32, #tpu.memory_space<vmem>>
    %dma_wait3A_70 = arith.constant 0 : i32
    %dma_wait3A_71 = arith.constant 0 : i32
    %dma_wait3A_72 = tpu.memref_slice %arg3[%dma_wait3A_70, %dma_wait3A_71] : memref<100000x128xf32, #tpu.memory_space<hbm>> -> memref<100000x128xf32, #tpu.memory_space<hbm>>
    tpu.wait_indirect_dma semaphore(%arg10 : memref<!tpu.dma_semaphore, #tpu.memory_space<semaphore_mem>>) src(%dma_wait3A_72 : memref<100000x128xf32, #tpu.memory_space<hbm>>) dst(%dma_wait3A_67 : memref<64x128xf32, #tpu.memory_space<vmem>>)
    %add3A_73 = arith.constant 0 : i32
    %add3A_74 = arith.addi %mul3A_2, %add3A_73 : i32
    %dma_start3A_75 = arith.constant 0 : i32
    %dma_start3A_76 = arith.constant 0 : i32
    %dma_start3A_77 = tpu.memref_slice %arg7[%dma_start3A_75, %dma_start3A_76] : memref<128x128xf32, #tpu.memory_space<vmem>> -> memref<64x128xf32, #tpu.memory_space<vmem>>
    %dma_start3A_78 = arith.constant 0 : i32
    %dma_start3A_79 = tpu.memref_slice %arg5[%add3A_74, %dma_start3A_78] : memref<4096x128xf32, #tpu.memory_space<hbm>> -> memref<64x128xf32, #tpu.memory_space<hbm>>
    %dma_start3A_80 = arith.constant 0 : i32
    %dma_start3A_81 = tpu.memref_slice %arg5[%add3A_74, %dma_start3A_80] : memref<4096x128xf32, #tpu.memory_space<hbm>> -> memref<64x128xf32, #tpu.memory_space<hbm>>
    %dma_start3A_82 = arith.constant 0 : i32
    %dma_start3A_83 = arith.constant 0 : i32
    %dma_start3A_84 = tpu.memref_slice %arg7[%dma_start3A_82, %dma_start3A_83] : memref<128x128xf32, #tpu.memory_space<vmem>> -> memref<64x128xf32, #tpu.memory_space<vmem>>
    tpu.enqueue_dma source(%dma_start3A_84 : memref<64x128xf32, #tpu.memory_space<vmem>>) target(%dma_start3A_81 : memref<64x128xf32, #tpu.memory_space<hbm>>) target_semaphore(%arg11 : memref<!tpu.dma_semaphore, #tpu.memory_space<semaphore_mem>>)
    %dma_wait3A_85 = arith.constant 64 : i32
    %dma_wait3A_86 = arith.constant 0 : i32
    %dma_wait3A_87 = tpu.memref_slice %arg7[%dma_wait3A_85, %dma_wait3A_86] : memref<128x128xf32, #tpu.memory_space<vmem>> -> memref<64x128xf32, #tpu.memory_space<vmem>>
    %dma_wait3A_88 = arith.constant 64 : i32
    %dma_wait3A_89 = tpu.memref_slice %arg6[%dma_wait3A_88] : memref<128xi32, #tpu.memory_space<vmem>> -> memref<64xi32, #tpu.memory_space<vmem>>
    %dma_wait3A_90 = arith.constant 0 : i32
    %dma_wait3A_91 = arith.constant 0 : i32
    %dma_wait3A_92 = tpu.memref_slice %arg3[%dma_wait3A_90, %dma_wait3A_91] : memref<100000x128xf32, #tpu.memory_space<hbm>> -> memref<100000x128xf32, #tpu.memory_space<hbm>>
    tpu.wait_indirect_dma semaphore(%arg10 : memref<!tpu.dma_semaphore, #tpu.memory_space<semaphore_mem>>) src(%dma_wait3A_92 : memref<100000x128xf32, #tpu.memory_space<hbm>>) dst(%dma_wait3A_87 : memref<64x128xf32, #tpu.memory_space<vmem>>)
    %add3A_93 = arith.constant 64 : i32
    %add3A_94 = arith.addi %mul3A_2, %add3A_93 : i32
    %dma_start3A_95 = arith.constant 64 : i32
    %dma_start3A_96 = arith.constant 0 : i32
    %dma_start3A_97 = tpu.memref_slice %arg7[%dma_start3A_95, %dma_start3A_96] : memref<128x128xf32, #tpu.memory_space<vmem>> -> memref<64x128xf32, #tpu.memory_space<vmem>>
    %dma_start3A_98 = arith.constant 0 : i32
    %dma_start3A_99 = tpu.memref_slice %arg5[%add3A_94, %dma_start3A_98] : memref<4096x128xf32, #tpu.memory_space<hbm>> -> memref<64x128xf32, #tpu.memory_space<hbm>>
    %dma_start3A_100 = arith.constant 0 : i32
    %dma_start3A_101 = tpu.memref_slice %arg5[%add3A_94, %dma_start3A_100] : memref<4096x128xf32, #tpu.memory_space<hbm>> -> memref<64x128xf32, #tpu.memory_space<hbm>>
    %dma_start3A_102 = arith.constant 64 : i32
    %dma_start3A_103 = arith.constant 0 : i32
    %dma_start3A_104 = tpu.memref_slice %arg7[%dma_start3A_102, %dma_start3A_103] : memref<128x128xf32, #tpu.memory_space<vmem>> -> memref<64x128xf32, #tpu.memory_space<vmem>>
    tpu.enqueue_dma source(%dma_start3A_104 : memref<64x128xf32, #tpu.memory_space<vmem>>) target(%dma_start3A_101 : memref<64x128xf32, #tpu.memory_space<hbm>>) target_semaphore(%arg11 : memref<!tpu.dma_semaphore, #tpu.memory_space<semaphore_mem>>)
    %dma_wait3A_105 = arith.constant 0 : i32
    %dma_wait3A_106 = arith.constant 0 : i32
    %dma_wait3A_107 = tpu.memref_slice %arg7[%dma_wait3A_105, %dma_wait3A_106] : memref<128x128xf32, #tpu.memory_space<vmem>> -> memref<64x128xf32, #tpu.memory_space<vmem>>
    %dma_wait3A_108 = arith.constant 0 : i32
    %dma_wait3A_109 = tpu.memref_slice %arg5[%add3A_74, %dma_wait3A_108] : memref<4096x128xf32, #tpu.memory_space<hbm>> -> memref<64x128xf32, #tpu.memory_space<hbm>>
    %dma_wait3A_110 = arith.constant 0 : i32
    %dma_wait3A_111 = tpu.memref_slice %arg5[%add3A_74, %dma_wait3A_110] : memref<4096x128xf32, #tpu.memory_space<hbm>> -> memref<64x128xf32, #tpu.memory_space<hbm>>
    %dma_wait3A_112 = arith.constant 0 : i32
    %dma_wait3A_113 = arith.constant 0 : i32
    %dma_wait3A_114 = tpu.memref_slice %arg7[%dma_wait3A_112, %dma_wait3A_113] : memref<128x128xf32, #tpu.memory_space<vmem>> -> memref<64x128xf32, #tpu.memory_space<vmem>>
    tpu.wait_dma2 semaphore(%arg11 : memref<!tpu.dma_semaphore, #tpu.memory_space<semaphore_mem>>) src(%dma_wait3A_114 : memref<64x128xf32, #tpu.memory_space<vmem>>) dst(%dma_wait3A_111 : memref<64x128xf32, #tpu.memory_space<hbm>>)
    %dma_wait3A_115 = arith.constant 64 : i32
    %dma_wait3A_116 = arith.constant 0 : i32
    %dma_wait3A_117 = tpu.memref_slice %arg7[%dma_wait3A_115, %dma_wait3A_116] : memref<128x128xf32, #tpu.memory_space<vmem>> -> memref<64x128xf32, #tpu.memory_space<vmem>>
    %dma_wait3A_118 = arith.constant 0 : i32
    %dma_wait3A_119 = tpu.memref_slice %arg5[%add3A_94, %dma_wait3A_118] : memref<4096x128xf32, #tpu.memory_space<hbm>> -> memref<64x128xf32, #tpu.memory_space<hbm>>
    %dma_wait3A_120 = arith.constant 0 : i32
    %dma_wait3A_121 = tpu.memref_slice %arg5[%add3A_94, %dma_wait3A_120] : memref<4096x128xf32, #tpu.memory_space<hbm>> -> memref<64x128xf32, #tpu.memory_space<hbm>>
    %dma_wait3A_122 = arith.constant 64 : i32
    %dma_wait3A_123 = arith.constant 0 : i32
    %dma_wait3A_124 = tpu.memref_slice %arg7[%dma_wait3A_122, %dma_wait3A_123] : memref<128x128xf32, #tpu.memory_space<vmem>> -> memref<64x128xf32, #tpu.memory_space<vmem>>
    tpu.wait_dma2 semaphore(%arg11 : memref<!tpu.dma_semaphore, #tpu.memory_space<semaphore_mem>>) src(%dma_wait3A_124 : memref<64x128xf32, #tpu.memory_space<vmem>>) dst(%dma_wait3A_121 : memref<64x128xf32, #tpu.memory_space<hbm>>)
    return
  }
}

module attributes {stable_mosaic.version = 14 : i64} {
  func.func @_tc_matmul_body(%arg0: i32, %arg1: memref<2048x256xf32, #tpu.memory_space<vmem>>, %arg2: memref<128x256xf32, #tpu.memory_space<vmem>>, %arg3: memref<1x128xf32, #tpu.memory_space<vmem>>, %arg4: memref<2048x128xf32, #tpu.memory_space<vmem>>) attributes {dimension_semantics = [#tpu.dimension_semantics<arbitrary>], iteration_bounds = array<i64: 2>, scalar_prefetch = 0 : i64, scratch_operands = 0 : i64, tpu.core_type = #tpu.core_type<tc>, window_params = [{transform_indices = @transform_0, window_bounds = array<i64: 2048, 256>}, {pipeline_mode = #tpu.pipeline_mode<synchronous>, transform_indices = @transform_1, window_bounds = array<i64: 128, 256>}, {pipeline_mode = #tpu.pipeline_mode<synchronous>, transform_indices = @transform_2, window_bounds = array<i64: 1, 128>}, {transform_indices = @transform_3, window_bounds = array<i64: 2048, 128>}]} {
    %get3A = arith.constant 0 : index
    %get3A_0 = arith.constant 0 : index
    %get3A_1 = vector.load %arg1[%get3A, %get3A_0] : memref<2048x256xf32, #tpu.memory_space<vmem>>, vector<2048x256xf32>
    %get3A_2 = arith.constant 0 : index
    %get3A_3 = arith.constant 0 : index
    %get3A_4 = vector.load %arg2[%get3A_2, %get3A_3] : memref<128x256xf32, #tpu.memory_space<vmem>>, vector<128x256xf32>
    %dot_general3A = arith.constant dense<0.000000e+00> : vector<2048x128xf32>
    %dot_general3A_5 = tpu.matmul %get3A_1, %get3A_4, %dot_general3A {dimension_numbers = #tpu.dot_dimension_numbers<[1], [1], [0], [0], [0, 0, 1, 0], [], []>, transpose_lhs_hint = false} : vector<2048x256xf32>, vector<128x256xf32>, vector<2048x128xf32> -> vector<2048x128xf32>
    %get3A_6 = arith.constant 0 : index
    %get3A_7 = arith.constant 0 : index
    %get3A_8 = vector.load %arg3[%get3A_6, %get3A_7] : memref<1x128xf32, #tpu.memory_space<vmem>>, vector<1x128xf32>
    %add3A = vector.broadcast %get3A_8 : vector<1x128xf32> to vector<2048x128xf32>
    %add3A_9 = arith.addf %dot_general3A_5, %add3A : vector<2048x128xf32>
    %swap3A = arith.constant 0 : index
    %swap3A_10 = arith.constant 0 : index
    %swap3A_11 = vector.load %arg4[%swap3A, %swap3A_10] : memref<2048x128xf32, #tpu.memory_space<vmem>>, vector<2048x128xf32>
    tpu.vector_store %arg4[%swap3A, %swap3A_10], %add3A_9 {strides = array<i32>} : memref<2048x128xf32, #tpu.memory_space<vmem>>, vector<2048x128xf32>,
    return
  }
  func.func @transform_0(%arg0: i32) -> (i32, i32) {
    %c0_i32 = arith.constant 0 : i32
    %c0_i32_0 = arith.constant 0 : i32
    return %arg0, %c0_i32 : i32, i32
  }
  func.func @transform_1(%arg0: i32) -> (i32, i32) {
    %c0_i32 = arith.constant 0 : i32
    %c0_i32_0 = arith.constant 0 : i32
    %c0_i32_1 = arith.constant 0 : i32
    return %c0_i32, %c0_i32_0 : i32, i32
  }
  func.func @transform_2(%arg0: i32) -> (i32, i32) {
    %c0_i32 = arith.constant 0 : i32
    %c0_i32_0 = arith.constant 0 : i32
    %c0_i32_1 = arith.constant 0 : i32
    return %c0_i32, %c0_i32_0 : i32, i32
  }
  func.func @transform_3(%arg0: i32) -> (i32, i32) {
    %c0_i32 = arith.constant 0 : i32
    %c0_i32_0 = arith.constant 0 : i32
    return %arg0, %c0_i32 : i32, i32
  }
}

</mosaic_0001>

<sc_bundles>
// kernel: kernel.4.cloned.1.call-start
scs
__scs_entry_jumppad:
0x0: {  	(pc) =	sbr.rel $0x88, $3  }
0x1: {  	(tag) =	ssettag $0x0;
	lr =	simm.s32 $0x1  }
0x2: {  	[smem:$0x3F9C] =	sst lr;
	_ =	strace $0xD0000000  }
0x3: {  	_ = 	snop  }
0x4: {  	_ = 	snop  }
0x5: {  	_ = 	snop  }
0x6: {  	_ = 	snop  }
0x7: {  	_ = 	snop  }
__scs_overlays_trampoline_lowered:
0x8: {  	[smem:$0x3FAB] =	sst s0  }
0x9: {  	[smem:$0x3FAC] =	sst s1  }
0xa: {  	[smem:$0x3FAD] =	sst s2  }
0xb: {  	[smem:$0x3FAE] =	sst s3  }
0xc: {  	[smem:$0x3FAF] =	sst s4  }
0xd: {  	[smem:$0x3FB0] =	sst s5  }
0xe: {  	[smem:$0x3FB1] =	sst s6  }
0xf: {  	[smem:$0x3FB2] =	sst s7  }
0x10: {  	[smem:$0x3FB3] =	sst s8  }
0x11: {  	[smem:$0x3FB4] =	sst s9;
	s0 =	simm.s32 @!p0 $0x0  }
0x12: {  	s1 =	sld [smem:$0x3F9A];
	s0 =	simm.s32 @p0 $0x1  }
0x13: {  	[smem:$0x3FB5] =	sst s0;
	s0 =	simm.s32 @!p1 $0x0  }
0x14: {  	s2 =	sld [smem:$0x3F99];
	s0 =	simm.s32 @p1 $0x1  }
0x15: {  	[smem:$0x3FB6] =	sst s0;
	s0 =	simm.s32 @!p2 $0x0  }
0x16: {  	s3 =	sld [smem:$0x3FDB];
	s0 =	simm.s32 @p2 $0x1  }
0x17: {  	s4 =	simm.s32 $0x1BF5;
	[smem:$0x3FB8] =	sst s0  }
0x18: {  	s0 =	sld [smem:$0x3F9B];
	_ =	swait.ge [sflag:s4], $0x0  }
0x19: {  	s7 =	sld [smem:$0x3F9C]  }
0x1a: {  	s8 =	sadd.s32 $0xFFFFE003, lr  }
0x1b: {  	s9 =	sadd.s32 $0xFFFFFEF7, lr;
	s5 =	simm.s32 $0xFFFFFFFF;
	p2 =	slt.u32 s8, $0xFFFFF086  }
0x1c: {  	p1 =	slt.u32 s9, $0xF7A;
	s5 =	simm.s32 @!p2 $0x0  }
0x1d: {  	s5 =	simm.s32 @p1 $0x1;
	p0 =	seq.s32 s7, s2  }
0x1e: {  	s7 =	smul.u32 @!p0 $0xF7A, s2;
	p2 =	seq.s32 @!p0 s5, $0x0  }
0x1f: {  	s9 =	smul.u32 $0xF7A, s1;
	s8 =	simm.s32 @!p0 $0x1BF5;
	p2 =	por !p2, p0  }
0x20: {  	[sflag:s8] =	ssyncset.s32 @!p0 $0xFFFFF086;
	s6 =	sadd.s32 @!p0 s3, s7;
	s7 =	simm.s32 @!p0 $0x108  }
0x21: {  	s3 =	sadd.s32 s3, s9;
	s6 =	sadd.s32 @!p0 $0x88, s6;
	s7 =	simm.s32 @p2 $0x1082  }
0x22: {  	[simem:s7], [sflag:s8] =	dma.local @!p0 [hbm:s6], $0xF7A  }
0x23: {  	s9 =	sor.u32 $0xD0000000, s2;
	s6 =	simm.s32 $0x108;
	_ =	swait.ge @!p0 [sflag:s8], $0x0  }
0x24: {  	s3 =	sadd.s32 $0x88, s3;
	s6 =	simm.s32 @!p1 $0x1082;
	[sflag:s4] =	ssyncset.s32 $0xFFFFF086  }
0x25: {  	[simem:s6], [sflag:s4] =	dma.local [hbm:s3], $0xF7A  }
0x26: {  	[smem:$0x3F9C] =	sst s1;
	(tag) =	ssettag s2;
	_ =	strace s9  }
0x27: {  	s1 =	sld [smem:$0x3FAC]  }
0x28: {  	s2 =	sld [smem:$0x3FAD]  }
0x29: {  	s4 =	sld [smem:$0x3FAF]  }
0x2a: {  	p0 =	seq.s32 s5, $0x0;
	s5 =	sld [smem:$0x3FB0]  }
0x2b: {  	s6 =	sld [smem:$0x3FB1]  }
0x2c: {  	s7 =	sld [smem:$0x3FB2]  }
0x2d: {  	s3 =	simm.s32 $0x108;
	s8 =	sld [smem:$0x3FB3]  }
0x2e: {  	s3 =	simm.s32 @!p0 $0x1082;
	s9 =	sld [smem:$0x3FB4]  }
0x2f: {  	lr =	sadd.s32 s0, s3;
	s0 =	sld [smem:$0x3FAB]  }
0x30: {  	s3 =	sld [smem:$0x3FAE]  }
0x31: {  	[smem:$0x3FB7] =	sst s10  }
0x32: {  	s10 =	sld [smem:$0x3FB5];
	_ =	sdelay $0x3  }
0x33: {  	p0 =	seq.s32 s10, $0x1;
	s10 =	sld [smem:$0x3FB7];
	_ =	sdelay $0x3  }
0x34: {  	[smem:$0x3FB7] =	sst s10  }
0x35: {  	s10 =	sld [smem:$0x3FB6];
	_ =	sdelay $0x3  }
0x36: {  	p1 =	seq.s32 s10, $0x1;
	s10 =	sld [smem:$0x3FB7];
	_ =	sdelay $0x3  }
0x37: {  	[smem:$0x3FB7] =	sst s10  }
0x38: {  	s10 =	sld [smem:$0x3FB8]  }
0x39: {  	_ = 	snop;
	(pc) =	sbr.ind lr, $3  }
0x3a: {  	_ = 	snop  }
0x3b: {  	_ = 	snop  }
0x3c: {  	p2 =	seq.s32 s10, $0x1;
	s10 =	sld [smem:$0x3FB7]  }
0x3d: {  	_ =	shalt  }
0x3e: {  	_ =	shalt  }
0x3f: {  	_ =	shalt  }
0x40: {  	_ =	shalt  }
0x41: {  	_ =	shalt  }
0x42: {  	_ =	shalt  }
0x43: {  	_ =	shalt  }
0x44: {  	_ =	shalt  }
0x45: {  	_ =	shalt  }
0x46: {  	_ =	shalt  }
0x47: {  	_ =	shalt  }
0x48: {  	_ =	shalt  }
0x49: {  	_ =	shalt  }
0x4a: {  	_ =	shalt  }
0x4b: {  	_ =	shalt  }
0x4c: {  	_ =	shalt  }
0x4d: {  	_ =	shalt  }
0x4e: {  	_ =	shalt  }
0x4f: {  	_ =	shalt  }
0x50: {  	_ =	shalt  }
0x51: {  	_ =	shalt  }
0x52: {  	_ =	shalt  }
0x53: {  	_ =	shalt  }
0x54: {  	_ =	shalt  }
0x55: {  	_ =	shalt  }
0x56: {  	_ =	shalt  }
0x57: {  	_ =	shalt  }
0x58: {  	_ =	shalt  }
0x59: {  	_ =	shalt  }
0x5a: {  	_ =	shalt  }
0x5b: {  	_ =	shalt  }
0x5c: {  	_ =	shalt  }
0x5d: {  	_ =	shalt  }
0x5e: {  	_ =	shalt  }
0x5f: {  	_ =	shalt  }
0x60: {  	_ =	shalt  }
0x61: {  	_ =	shalt  }
0x62: {  	_ =	shalt  }
0x63: {  	_ =	shalt  }
0x64: {  	_ =	shalt  }
0x65: {  	_ =	shalt  }
0x66: {  	_ =	shalt  }
0x67: {  	_ =	shalt  }
0x68: {  	_ =	shalt  }
0x69: {  	_ =	shalt  }
0x6a: {  	_ =	shalt  }
0x6b: {  	_ =	shalt  }
0x6c: {  	_ =	shalt  }
0x6d: {  	_ =	shalt  }
0x6e: {  	_ =	shalt  }
0x6f: {  	_ =	shalt  }
0x70: {  	_ =	shalt  }
0x71: {  	_ =	shalt  }
0x72: {  	_ =	shalt  }
0x73: {  	_ =	shalt  }
0x74: {  	_ =	shalt  }
0x75: {  	_ =	shalt  }
0x76: {  	_ =	shalt  }
0x77: {  	_ =	shalt  }
0x78: {  	_ =	shalt  }
0x79: {  	_ =	shalt  }
0x7a: {  	_ =	shalt  }
0x7b: {  	_ =	shalt  }
0x7c: {  	_ =	shalt  }
0x7d: {  	_ =	shalt  }
0x7e: {  	_ =	shalt  }
0x7f: {  	_ =	shalt  }
0x80: {  	_ =	shalt  }
0x81: {  	_ =	shalt  }
0x82: {  	_ =	shalt  }
0x83: {  	_ =	shalt  }
0x84: {  	_ =	shalt  }
0x85: {  	_ =	shalt  }
0x86: {  	_ =	shalt  }
0x87: {  	_ =	shalt  }
.Lfunc_end0:
.L_simem_size_0:
called_computation_lowered:
.L_overlay_start_0:
0x88: {  	s2 =	sld [smem:$0x3FD9]  }
0x89: {  	s3 =	sld [smem:$0x3FFE];
	_ =	sdelay $0x1  }
0x8a: {  	s1 =	srdreg.scid  }
0x8b: {  	s0 =	sand.u32 $0x1, s1  }
0x8c: {  	s17 =	sshll.u32 s0, $0xA;
	s2 =	sadd.s32 s3, s2  }
0x8d: {  	s2 =	sadd.s32 s2, s17  }
0x8e: {  	[smem:$0x3FC3] =	sst s2  }
0x8f: {  	_ = 	snop  }
0x90: {  	s2 =	sld [smem:$0x3FC8]  }
0x91: {  	s18 =	sld [smem:$0x3FC5]  }
0x92: {  	s4 =	sld [smem:$0x3FD0];
	(tm) =	ssettm $0x1  }
0x93: {  	s5 =	sld [smem:$0x3FFB];
	_ =	sdelay $0x3  }
0x94: {  	_ =	strace s5  }
0x95: {  	s5 =	sld [smem:$0x3FFC];
	_ =	sdelay $0x3  }
0x96: {  	_ =	strace s5  }
0x97: {  	s5 =	sld [smem:$0x3FFD];
	_ =	sdelay $0x3  }
0x98: {  	_ =	strace s5  }
0x99: {  	_ =	strace $0x8FFFFFFF  }
0x9a: {  	s19 =	sld [smem:$0x3FDB];
	_ =	sdelay $0x1  }
0x9b: {  	s6 =	simm.s32 $_scs_section_size  }
0x9c: {  	s7 =	simm.s32 $_size__tile_overlayer_lowered;
	s8 =	simm.s32 $_tile_overlayer_lowered  }
0x9d: {  	s22 =	simm.s32 $0x1BFF;
	s21 =	sshll.u32 s8, $0x1;
	s5 =	sadd.s32 s6, s19  }
0x9e: {  	s9 =	simm.s32 $0x0;
	s20 =	sshll.u32 s7, $0x1;
	s7 =	sadd.s32 s21, s5  }
0x9f: {  	[timem:s9], [sflag:s22] =	dma.local [hbm:s7], s20  }
0xa0: {  	_ =	swait.ge [sflag:s22], s20  }
0xa1: {  	s6 =	ssub.s32 $0x0, s20;
	[sflag:s22] =	ssyncset.done $0x0  }
0xa2: {  	[sflag:s22] =	ssyncadd.s32 s6;
	_ =	sdelay $0x1  }
0xa3: {  	s23 =	simm.s32 $0x1B8B  }
0xa4: {  	_ =	swait.ge [sflag:s23], $0x1  }
0xa5: {  	[sflag:s23] =	ssyncset.done $0x0  }
0xa6: {  	s25 =	simm.s32 $0x1B8E;
	s24 =	sld [smem:$0x3FFE];
	[sflag:s23] =	ssyncadd.s32 $0xFFFFFFFF  }
0xa7: {  	s26 =	simm.s32 $execute0_lowered;
	[smem:$0x3FD2] =	sst s25  }
0xa8: {  	s7 =	sshll.u32 s26, $0x1;
	_ =	strace $0x80000046;
	[dreg:$0x1] =	wrdreg $0xFFFFFFFF  }
0xa9: {  	s28 =	simm.s32 $_size_execute0_lowered;
	s5 =	sadd.s32 s5, s7;
	[dreg:$0x0] =	wrdreg $0x0  }
0xaa: {  	s7 =	sshll.u32 s28, $0x1;
	[dreg:$0x2] =	wrdreg s5  }
0xab: {  	[dreg:$0x3] =	wrdreg s7  }
0xac: {  	[dreg:$0x4] =	wrdreg $0xC0  }
0xad: {  	_ =	task [dreg:s9], $0x5FFFF  }
0xae: {  	[dreg:$0x1] =	wrdreg $0xFFFFFFFF  }
0xaf: {  	[dreg:$0x0] =	wrdreg $0x60  }
0xb0: {  	[dreg:$0x2] =	wrdreg s2  }
0xb1: {  	[dreg:$0x3] =	wrdreg s18  }
0xb2: {  	[dreg:$0x4] =	wrdreg s24  }
0xb3: {  	[dreg:$0x5] =	wrdreg s4  }
0xb4: {  	[dreg:$0x6] =	wrdreg $0x9  }
0xb5: {  	_ =	task.clear_ibuf [dreg:s9], $0x7FFFF;
	_ =	strace $0x90000046  }
0xb6: {  	s29 =	simm.s32 $0x9;
	_ =	strace $0x80000048  }
0xb7: {  	_ =	swait.ge [sflag:s29], $0x1  }
0xb8: {  	[sflag:s29] =	ssyncadd.s32 $0xFFFFFFFF  }
0xb9: {  	_ =	strace $0x90000048  }
0xba: {  	_ =	sfence  }
0xbb: {  	s30 =	sld [smem:$0x0];
	_ =	sdelay $0x2  }
0xbc: {  	s31 =	sshll.u32 s1, $0xD;
	s1 =	sshrl.u32 s1, $0x2  }
0xbd: {  	s3 =	sand.u32 $0x4000, s31;
	s1 =	sadd.s32 s1, s30  }
0xbe: {  	s0 =	sor.u32 s3, s0;
	s1 =	sshll.u32 s1, $0x11  }
0xbf: {  	s0 =	sor.u32 s1, s0  }
0xc0: {  	s0 =	sadd.s32 $0x8F2B, s0  }
0xc1: {  	[sflag:s0] =	ssyncadd.remote.s32 $0x1  }
0xc2: {  	_ =	sfence.sel $0xFFFF  }
0xc3: {  	[dreg:$0x0] =	wrdreg $0xFFFFFFFF;
	(pc) =	sbr.abs _section_cstart, $3  }
0xc4: {  	[dreg:$0x1] =	wrdreg $0xFFFFFFFF  }
0xc5: {  	_ =	task.clear_ibuf [dreg:s9], $0x2FFFF;
	_ =	strace $0x9FFFFFFF  }
0xc6: {  	(tm) =	ssettm $0x7FFFFFFF  }
0xc7: {  	_ =	shalt  }
tec
execute0_lowered:
.L_overlay_start_1:
0x0: {  	(tag) =	ssettag $0x1  }
0x1: {  	s4 =	rddreg [dreg:$0x0]  }
0x2: {  	s2 =	rddreg [dreg:$0x1];
	s3 =	srdreg.scid  }
0x3: {  	s5 =	rddreg [dreg:$0x2];
	s1 =	stileid.u32;
	s15 =	sand.u32 $0x1, s3  }
0x4: {  	s14 =	rddreg [dreg:$0x3];
	s6 =	sshll.u32 s1, $0x8;
	s7 =	sshll.u32 s15, $0x7  }
0x5: {  	s0 =	rddreg [dreg:$0x4];
	s3 =	simm.s32 $0x0;
	s6 =	sor.u32 s7, s6  }
0x6: {  	s8 =	sadd.s32 $0xC00, s5;
	[smem:$0x7FF] =	sst s3;
	s7 =	sshrl.u32 s6, $0x3  }
0x7: {  	_ =	strace $0x80000047;
	s13 =	sshll.u32 s6, $0x4;
	s4 =	sadd.s32 s4, s7  }
0x8: {  	[tilespmem:s3], [sflag:$0x1] =	stream.linear.gather [hbm4b:s4+s3], $0x80, $0x38;
	[tilespmem:$0x4080] =	vst v63  }
0x9: {  	s6 =	simm.s32 $0x80;
	s5 =	sadd.s32 s8, s13;
	s16 =	sor.u32 $0x400, s13  }
0xa: {  	[tilespmem:s6], [sflag:$0x2] =	stream.linear.gather [hbm4b:s5+s3], $0x2000, $0x38;
	[tilespmem:$0x4080] =	vst v63  }
0xb: {  	s9 =	simm.s32 $0x1;
	s7 =	sadd.s32 s8, s16;
	s8 =	simm.s32 $0x2080  }
0xc: {  	[tilespmem:s8], [sflag:$0x2] =	stream.linear.gather [hbm4b:s7+s3], $0x2000, $0x38;
	[tilespmem:$0x4080] =	vst v63  }
0xd: {  	_ =	swait.ge [sflag:s9], $0x80  }
0xe: {  	[sflag:s9] =	ssyncset.done $0x0  }
0xf: {  	s10 =	simm.s32 $0x2;
	[sflag:s9] =	ssyncadd.s32 $0xFFFFFF80  }
0x10: {  	_ =	swait.ge [sflag:s10], $0x2000  }
0x11: {  	[sflag:s10] =	ssyncset.done $0x0  }
0x12: {  	s11 =	simm.s32 $0x40;
	[sflag:s10] =	ssyncadd.s32 $0xFFFFE000  }
0x13: {  	[tilespmem:s6], [sflag:$0x3] =	stream.indirect.gather.add.f32 [hbm:s2], $0x80, s3, s11, $0xb8;
	[tilespmem:$0x4080] =	vst v63  }
0x14: {  	_ =	swait.ge [sflag:s10], $0x2000  }
0x15: {  	[sflag:s10] =	ssyncset.done $0x0  }
0x16: {  	s12 =	simm.s32 $0x3;
	[sflag:s10] =	ssyncadd.s32 $0xFFFFE000  }
0x17: {  	[tilespmem:s8], [sflag:$0x3] =	stream.indirect.gather.add.f32 [hbm:s2], $0x80, s11, s11, $0xb8;
	[tilespmem:$0x4080] =	vst v63  }
0x18: {  	_ =	swait.ge [sflag:s12], $0x2000  }
0x19: {  	s17 =	ssub.s32 $0x2, s15;
	[sflag:s12] =	ssyncset.done $0x0  }
0x1a: {  	s31 =	sshrl.u32 s17, $0x1;
	s13 =	sadd.s32 s14, s13;
	[sflag:s12] =	ssyncadd.s32 $0xFFFFE000  }
0x1b: {  	[hbm4b:s13+s3] =	stream.linear.scatter [tilespmem:s6], [sflag:$0x4], $0x2000, $0x38;
	[tilespmem:$0x4080] =	vst v63  }
0x1c: {  	s15 =	sadd.s32 s14, s16;
	s16 =	ssub.s32 s17, s31;
	_ =	swait.ge [sflag:s12], $0x2000  }
0x1d: {  	s16 =	smax.u32 s16, $0x1;
	[sflag:s12] =	ssyncset.done $0x0  }
0x1e: {  	s14 =	simm.s32 $0x4;
	p0 =	sne.s32 s16, $0x1;
	[sflag:s12] =	ssyncadd.s32 $0xFFFFE000  }
0x1f: {  	[hbm4b:s15+s3] =	stream.linear.scatter [tilespmem:s8], [sflag:$0x4], $0x2000, $0x38;
	[tilespmem:$0x4080] =	vst v63  }
.Ltmp0:
0x20: {  	_ =	swait.ge [sflag:s14], $0x2000;
	(pc) =	sbr.rel @!p0 .LBB2_2-.Ltmp0, $4  }
0x21: {  	[sflag:s14] =	ssyncset.done $0x0  }
0x22: {  	[sflag:s14] =	ssyncadd.s32 $0xFFFFE000  }
0x23: {  	_ =	swait.ge [sflag:s14], $0x2000  }
0x24: {  	s16 =	sadd.s32 $0xFFFFFFFF, s16;
	[sflag:s14] =	ssyncset.done $0x0  }
.LBB2_1:
0x25: {  	p0 =	sne.s32 s16, $0x1;
	s16 =	sadd.s32 $0xFFFFFFFF, s16;
	[sflag:s14] =	ssyncadd.s32 $0xFFFFE000  }
0x26: {  	[tilespmem:s3], [sflag:$0x1] =	stream.linear.gather [hbm4b:s4+s3], $0x80, $0x38;
	[tilespmem:$0x4080] =	vst v63  }
0x27: {  	_ = 	snop  }
0x28: {  	[tilespmem:s6], [sflag:$0x2] =	stream.linear.gather [hbm4b:s5+s3], $0x2000, $0x38;
	[tilespmem:$0x4080] =	vst v63  }
0x29: {  	_ = 	snop  }
0x2a: {  	[tilespmem:s8], [sflag:$0x2] =	stream.linear.gather [hbm4b:s7+s3], $0x2000, $0x38;
	[tilespmem:$0x4080] =	vst v63  }
0x2b: {  	_ =	swait.ge [sflag:s9], $0x80  }
0x2c: {  	[sflag:s9] =	ssyncset.done $0x0  }
0x2d: {  	[sflag:s9] =	ssyncadd.s32 $0xFFFFFF80  }
0x2e: {  	_ =	swait.ge [sflag:s10], $0x2000  }
0x2f: {  	[sflag:s10] =	ssyncset.done $0x0  }
0x30: {  	[sflag:s10] =	ssyncadd.s32 $0xFFFFE000  }
0x31: {  	[tilespmem:s6], [sflag:$0x3] =	stream.indirect.gather.add.f32 [hbm:s2], $0x80, s3, s11, $0xb8;
	[tilespmem:$0x4080] =	vst v63  }
0x32: {  	_ =	swait.ge [sflag:s10], $0x2000  }
0x33: {  	[sflag:s10] =	ssyncset.done $0x0  }
0x34: {  	[sflag:s10] =	ssyncadd.s32 $0xFFFFE000  }
0x35: {  	[tilespmem:s8], [sflag:$0x3] =	stream.indirect.gather.add.f32 [hbm:s2], $0x80, s11, s11, $0xb8;
	[tilespmem:$0x4080] =	vst v63  }
0x36: {  	_ =	swait.ge [sflag:s12], $0x2000  }
0x37: {  	[sflag:s12] =	ssyncset.done $0x0  }
0x38: {  	[sflag:s12] =	ssyncadd.s32 $0xFFFFE000  }
0x39: {  	[hbm4b:s13+s3] =	stream.linear.scatter [tilespmem:s6], [sflag:$0x4], $0x2000, $0x38;
	[tilespmem:$0x4080] =	vst v63  }
0x3a: {  	_ =	swait.ge [sflag:s12], $0x2000  }
0x3b: {  	[sflag:s12] =	ssyncset.done $0x0  }
0x3c: {  	[sflag:s12] =	ssyncadd.s32 $0xFFFFE000  }
0x3d: {  	[hbm4b:s15+s3] =	stream.linear.scatter [tilespmem:s8], [sflag:$0x4], $0x2000, $0x38;
	[tilespmem:$0x4080] =	vst v63  }
.Ltmp1:
0x3e: {  	_ =	swait.ge [sflag:s14], $0x2000;
	(pc) =	sbr.rel @p0 .LBB2_1-.Ltmp1, $4  }
0x3f: {  	[sflag:s14] =	ssyncset.done $0x0  }
0x40: {  	[sflag:s14] =	ssyncadd.s32 $0xFFFFE000  }
0x41: {  	_ =	swait.ge [sflag:s14], $0x2000  }
0x42: {  	[sflag:s14] =	ssyncset.done $0x0  }
.LBB2_2:
0x43: {  	[sflag:s14] =	ssyncadd.s32 $0xFFFFE000  }
0x44: {  	_ =	sfence.sel $0x180000  }
0x45: {  	[bflag:$0x0] =	sbarrier.arrive $0xFFFF  }
0x46: {  	p0 =	sne.s32 s1, $0x0;
	_ =	strace $0x90000047  }
0x47: {  	s0 =	sadd.s32 @!p0 $0x100000, s0;
	[bflag:$0x2] =	sbarrier.arrive $0xFFFF  }
0x48: {  	[sflag:s0] =	ssyncadd.tile.s32 @!p0 $0x1;
	_ =	shalt  }
.Lfunc_end2:
_tile_overlayer_lowered:
.L_overlay_start_2:
0x49: {  	(tag) =	ssettag $0x2  }
0x4a: {  	s0 =	rddreg [dreg:$0x0];
	s2 =	stileid.u32  }
0x4b: {  	s1 =	rddreg [dreg:$0x1];
	p0 =	sne.s32 s2, $0x0  }
0x4c: {  	s3 =	rddreg [dreg:$0x2];
	[bflag:$0x3] =	sbarrier.arrive $0xFFFF;
	s2 =	simm.s32 @!p0 $0x1C05  }
0x4d: {  	[timem:s3], [sflag:s2] =	dma.local @!p0 [hbm:s0], s1  }
0x4e: {  	s0 =	simm.s32 @!p0 $0x5  }
0x4f: {  	_ =	swait.ge @!p0 [sflag:s0], s1  }
0x50: {  	s1 =	ssub.s32 @!p0 $0x0, s1;
	[sflag:s0] =	ssyncset.done @!p0 $0x0  }
0x51: {  	[sflag:s0] =	ssyncadd.s32 @!p0 s1  }
0x52: {  	[bflag:$0x3] =	sbarrier.arrive $0xFFFF  }
0x53: {  	_ =	shalt  }

</sc_bundles>
